<compile_context>
chip_gen: v7x
topology: tpu7x:2x2x1
jax: 0.10.2.dev20260603
libtpu: 0.0.44.dev20260713+nightly
codegen_flags: <defaults>
</compile_context>

<pallas_src>
import functools

import jax
import jax.numpy as jnp
from jax import lax
from jax.experimental import pallas as pl
from jax.experimental.pallas import tpu as pltpu
from jax.experimental.pallas import tpu_sc as plsc

EMBED = 64
IMG_TOK = 151669
BATCH = 16
SEQ = 2048
TOT = BATCH * SEQ

NC, NS = 2, 16
NW = NC * NS
ROWS_PER_W = TOT // NW
IDX_CHUNK = 128
CH = ROWS_PER_W // IDX_CHUNK

@functools.cache
def _build_sc_gather():
    mesh = plsc.VectorSubcoreMesh(
        core_axis_name="c", subcore_axis_name="s", num_cores=NC, num_subcores=NS
    )

    @functools.partial(
        pl.kernel,
        mesh=mesh,
        out_type=jax.ShapeDtypeStruct((BATCH, SEQ, EMBED), jnp.float32),
        scratch_types=[
            pltpu.VMEM((CH, IDX_CHUNK), jnp.int32),
            pltpu.VMEM((ROWS_PER_W, EMBED), jnp.float32),
            pltpu.SemaphoreType.DMA,
        ],
        compiler_params=pltpu.CompilerParams(use_tc_tiling_on_sc=False),
    )
    def _sc_gather(table_hbm, ids_hbm, out_hbm, idx_v, rows_v, sem):
        wid = lax.axis_index("s") * NC + lax.axis_index("c")
        pltpu.sync_copy(ids_hbm.at[pl.ds(wid * CH, CH)], idx_v)
        copies = []
        for j in range(CH):
            copies.append(
                pltpu.async_copy(
                    table_hbm.at[idx_v.at[j]],
                    rows_v.at[pl.ds(j * IDX_CHUNK, IDX_CHUNK)],
                    sem,
                )
            )
        for c in copies:
            c.wait()
        pltpu.sync_copy(
            rows_v,
            out_hbm.at[wid // 2, pl.ds((wid % 2) * ROWS_PER_W, ROWS_PER_W)],
        )

    return _sc_gather


def _mask_body(ids_ref, attn_ref, am_out, im_out):
    am_out[...] = attn_ref[...] == 1
    im_out[...] = ids_ref[...] == IMG_TOK


def _masks_tc(input_ids, attention_mask):
    return pl.pallas_call(
        _mask_body,
        out_shape=(
            jax.ShapeDtypeStruct((BATCH, SEQ), jnp.bool_),
            jax.ShapeDtypeStruct((BATCH, SEQ), jnp.bool_),
        ),
    )(input_ids, attention_mask)


def kernel(pixel_values, input_ids, attention_mask, text_proj_weight):
    del pixel_values
    ids32 = input_ids.astype(jnp.int32)
    ids_tiled = ids32.reshape(TOT // IDX_CHUNK, IDX_CHUNK)
    hidden_states = _build_sc_gather()(text_proj_weight, ids_tiled)
    attn_mask, image_mask = _masks_tc(ids32, attention_mask.astype(jnp.int32))
    return (hidden_states, attn_mask, image_mask)

# --- scband reference (transcript-rebuilt; emitter-appended) ---
"""Pipeline reference for scband-tiny-vlmbackbone-65816078844303 (READ-ONLY COPY).

The authoritative reference and input builder live on the scoring server;
editing this copy changes nothing except your own understanding.
"""

import jax, jax.numpy as jnp
import numpy as np

VOCAB = 200000
EMBED_DIM = 64
IMAGE_TOKEN_INDEX = 151669


def setup_inputs(seed: int = 0) -> dict:
    key = jax.random.key(seed)
    k1, k2, k3 = jax.random.split(key, 3)
    pixel_values = jax.random.normal(k1, (16, 3, 448, 448), dtype=jnp.float32)
    input_ids = jax.random.randint(k2, (16, 2048), 0, VOCAB, dtype=jnp.int64 if jax.config.jax_enable_x64 else jnp.int32)
    attention_mask = jnp.ones((16, 2048), dtype=jnp.int32)
    # learned parameter: embedding table (nn.Embedding(200000, 64))
    text_proj_weight = jax.random.normal(k3, (VOCAB, EMBED_DIM), dtype=jnp.float32)
    return {
        'pixel_values': pixel_values,
        'input_ids': input_ids,
        'attention_mask': attention_mask,
        'text_proj_weight': text_proj_weight,
    }


def reference(pixel_values, input_ids, attention_mask, text_proj_weight):
    # hidden_states = self.text_proj(input_ids)  -> embedding gather
    hidden_states = jnp.take(text_proj_weight, input_ids, axis=0)
    # image_mask = input_ids == self._image_token_index
    image_mask = input_ids == IMAGE_TOKEN_INDEX
    # attn_mask = attention_mask == 1
    attn_mask = attention_mask == 1
    return (hidden_states, attn_mask, image_mask)

if __name__ == "__main__":
    import jax
    _d = setup_inputs()
    print(jax.jit(kernel)(*tuple(_d.values())))

</pallas_src>

<mosaic_0001>
#map = affine_map<(d0, d1) -> (0, 0)>
#map1 = affine_map<(d0, d1) -> (0, 0, 0)>
module attributes {stable_mosaic.version = 14 : i64} {
  func.func @_sc_gather(%arg0: i32, %arg1: i32, %arg2: memref<200000x64xf32, #tpu.memory_space<hbm>>, %arg3: memref<256x128xi32, #tpu.memory_space<hbm>>, %arg4: memref<16x2048x64xf32, #tpu.memory_space<hbm>>, %arg5: memref<8x128xi32, #tpu.memory_space<vmem>>, %arg6: memref<1024x64xf32, #tpu.memory_space<vmem>>, %arg7: memref<!tpu.dma_semaphore, #tpu.memory_space<semaphore_mem>>) attributes {dimension_semantics = [#tpu.dimension_semantics<core_parallel>, #tpu.dimension_semantics<subcore_parallel>], iteration_bounds = array<i64: 2, 16>, scalar_prefetch = 0 : i64, scratch_operands = 3 : i64, tpu.core_type = #tpu.core_type<sc_vector_subcore>, window_params = [{transform_indices = #map}, {transform_indices = #map}, {transform_indices = #map1}]} {
    %mul3A = arith.constant 2 : i32
    %mul3A_0 = arith.muli %arg1, %mul3A : i32
    %add3A = arith.addi %mul3A_0, %arg0 : i32
    %mul3A_1 = arith.constant 8 : i32
    %mul3A_2 = arith.muli %add3A, %mul3A_1 : i32
    "tpu.region"() ({
      %run_scoped3A = tpu.sem_alloc : memref<!tpu.dma_semaphore, #tpu.memory_space<semaphore_mem>>
      %dma_start3A_193 = arith.constant 0 : i32
      %dma_start3A_194 = tpu.memref_slice %arg3[%mul3A_2, %dma_start3A_193] : memref<256x128xi32, #tpu.memory_space<hbm>> -> memref<8x128xi32, #tpu.memory_space<hbm>>
      %dma_start3A_195 = arith.constant 0 : i32
      %dma_start3A_196 = tpu.memref_slice %arg3[%mul3A_2, %dma_start3A_195] : memref<256x128xi32, #tpu.memory_space<hbm>> -> memref<8x128xi32, #tpu.memory_space<hbm>>
      tpu.enqueue_dma source(%dma_start3A_196 : memref<8x128xi32, #tpu.memory_space<hbm>>) target(%arg5 : memref<8x128xi32, #tpu.memory_space<vmem>>) target_semaphore(%run_scoped3A : memref<!tpu.dma_semaphore, #tpu.memory_space<semaphore_mem>>)
      %dma_wait3A_197 = arith.constant 0 : i32
      %dma_wait3A_198 = tpu.memref_slice %arg3[%mul3A_2, %dma_wait3A_197] : memref<256x128xi32, #tpu.memory_space<hbm>> -> memref<8x128xi32, #tpu.memory_space<hbm>>
      %dma_wait3A_199 = arith.constant 0 : i32
      %dma_wait3A_200 = tpu.memref_slice %arg3[%mul3A_2, %dma_wait3A_199] : memref<256x128xi32, #tpu.memory_space<hbm>> -> memref<8x128xi32, #tpu.memory_space<hbm>>
      tpu.wait_dma2 semaphore(%run_scoped3A : memref<!tpu.dma_semaphore, #tpu.memory_space<semaphore_mem>>) src(%dma_wait3A_200 : memref<8x128xi32, #tpu.memory_space<hbm>>) dst(%arg5 : memref<8x128xi32, #tpu.memory_space<vmem>>)
      tpu.yield
    }) : () -> ()
    %dma_start3A = arith.constant 0 : i32
    %dma_start3A_3 = arith.constant 0 : i32
    %dma_start3A_4 = arith.constant 0 : i32
    %dma_start3A_5 = tpu.memref_slice %arg6[%dma_start3A_3, %dma_start3A_4] : memref<1024x64xf32, #tpu.memory_space<vmem>> -> memref<128x64xf32, #tpu.memory_space<vmem>>
    %dma_start3A_6 = arith.constant 0 : i32
    %dma_start3A_7 = tpu.memref_slice %arg5[%dma_start3A, %dma_start3A_6] : memref<8x128xi32, #tpu.memory_space<vmem>> -> memref<1x128xi32, #tpu.memory_space<vmem>>
    %dma_start3A_8 = tpu.memref_squeeze %dma_start3A_7 : memref<1x128xi32, #tpu.memory_space<vmem>> -> memref<128xi32, #tpu.memory_space<vmem>>
    %dma_start3A_9 = arith.constant 0 : i32
    %dma_start3A_10 = arith.constant 0 : i32
    %dma_start3A_11 = tpu.memref_slice %arg2[%dma_start3A_9, %dma_start3A_10] : memref<200000x64xf32, #tpu.memory_space<hbm>> -> memref<200000x64xf32, #tpu.memory_space<hbm>>
    tpu.enqueue_indirect_dma source(%dma_start3A_11 : memref<200000x64xf32, #tpu.memory_space<hbm>>) target(%dma_start3A_5 : memref<128x64xf32, #tpu.memory_space<vmem>>) offsets(%dma_start3A_8 : memref<128xi32, #tpu.memory_space<vmem>>) semaphore(%arg7 : memref<!tpu.dma_semaphore, #tpu.memory_space<semaphore_mem>>)
    %dma_start3A_12 = arith.constant 1 : i32
    %dma_start3A_13 = arith.constant 128 : i32
    %dma_start3A_14 = arith.constant 0 : i32
    %dma_start3A_15 = tpu.memref_slice %arg6[%dma_start3A_13, %dma_start3A_14] : memref<1024x64xf32, #tpu.memory_space<vmem>> -> memref<128x64xf32, #tpu.memory_space<vmem>>
    %dma_start3A_16 = arith.constant 0 : i32
    %dma_start3A_17 = tpu.memref_slice %arg5[%dma_start3A_12, %dma_start3A_16] : memref<8x128xi32, #tpu.memory_space<vmem>> -> memref<1x128xi32, #tpu.memory_space<vmem>>
    %dma_start3A_18 = tpu.memref_squeeze %dma_start3A_17 : memref<1x128xi32, #tpu.memory_space<vmem>> -> memref<128xi32, #tpu.memory_space<vmem>>
    %dma_start3A_19 = arith.constant 0 : i32
    %dma_start3A_20 = arith.constant 0 : i32
    %dma_start3A_21 = tpu.memref_slice %arg2[%dma_start3A_19, %dma_start3A_20] : memref<200000x64xf32, #tpu.memory_space<hbm>> -> memref<200000x64xf32, #tpu.memory_space<hbm>>
    tpu.enqueue_indirect_dma source(%dma_start3A_21 : memref<200000x64xf32, #tpu.memory_space<hbm>>) target(%dma_start3A_15 : memref<128x64xf32, #tpu.memory_space<vmem>>) offsets(%dma_start3A_18 : memref<128xi32, #tpu.memory_space<vmem>>) semaphore(%arg7 : memref<!tpu.dma_semaphore, #tpu.memory_space<semaphore_mem>>)
    %dma_start3A_22 = arith.constant 2 : i32
    %dma_start3A_23 = arith.constant 256 : i32
    %dma_start3A_24 = arith.constant 0 : i32
    %dma_start3A_25 = tpu.memref_slice %arg6[%dma_start3A_23, %dma_start3A_24] : memref<1024x64xf32, #tpu.memory_space<vmem>> -> memref<128x64xf32, #tpu.memory_space<vmem>>
    %dma_start3A_26 = arith.constant 0 : i32
    %dma_start3A_27 = tpu.memref_slice %arg5[%dma_start3A_22, %dma_start3A_26] : memref<8x128xi32, #tpu.memory_space<vmem>> -> memref<1x128xi32, #tpu.memory_space<vmem>>
    %dma_start3A_28 = tpu.memref_squeeze %dma_start3A_27 : memref<1x128xi32, #tpu.memory_space<vmem>> -> memref<128xi32, #tpu.memory_space<vmem>>
    %dma_start3A_29 = arith.constant 0 : i32
    %dma_start3A_30 = arith.constant 0 : i32
    %dma_start3A_31 = tpu.memref_slice %arg2[%dma_start3A_29, %dma_start3A_30] : memref<200000x64xf32, #tpu.memory_space<hbm>> -> memref<200000x64xf32, #tpu.memory_space<hbm>>
    tpu.enqueue_indirect_dma source(%dma_start3A_31 : memref<200000x64xf32, #tpu.memory_space<hbm>>) target(%dma_start3A_25 : memref<128x64xf32, #tpu.memory_space<vmem>>) offsets(%dma_start3A_28 : memref<128xi32, #tpu.memory_space<vmem>>) semaphore(%arg7 : memref<!tpu.dma_semaphore, #tpu.memory_space<semaphore_mem>>)
    %dma_start3A_32 = arith.constant 3 : i32
    %dma_start3A_33 = arith.constant 384 : i32
    %dma_start3A_34 = arith.constant 0 : i32
    %dma_start3A_35 = tpu.memref_slice %arg6[%dma_start3A_33, %dma_start3A_34] : memref<1024x64xf32, #tpu.memory_space<vmem>> -> memref<128x64xf32, #tpu.memory_space<vmem>>
    %dma_start3A_36 = arith.constant 0 : i32
    %dma_start3A_37 = tpu.memref_slice %arg5[%dma_start3A_32, %dma_start3A_36] : memref<8x128xi32, #tpu.memory_space<vmem>> -> memref<1x128xi32, #tpu.memory_space<vmem>>
    %dma_start3A_38 = tpu.memref_squeeze %dma_start3A_37 : memref<1x128xi32, #tpu.memory_space<vmem>> -> memref<128xi32, #tpu.memory_space<vmem>>
    %dma_start3A_39 = arith.constant 0 : i32
    %dma_start3A_40 = arith.constant 0 : i32
    %dma_start3A_41 = tpu.memref_slice %arg2[%dma_start3A_39, %dma_start3A_40] : memref<200000x64xf32, #tpu.memory_space<hbm>> -> memref<200000x64xf32, #tpu.memory_space<hbm>>
    tpu.enqueue_indirect_dma source(%dma_start3A_41 : memref<200000x64xf32, #tpu.memory_space<hbm>>) target(%dma_start3A_35 : memref<128x64xf32, #tpu.memory_space<vmem>>) offsets(%dma_start3A_38 : memref<128xi32, #tpu.memory_space<vmem>>) semaphore(%arg7 : memref<!tpu.dma_semaphore, #tpu.memory_space<semaphore_mem>>)
    %dma_start3A_42 = arith.constant 4 : i32
    %dma_start3A_43 = arith.constant 512 : i32
    %dma_start3A_44 = arith.constant 0 : i32
    %dma_start3A_45 = tpu.memref_slice %arg6[%dma_start3A_43, %dma_start3A_44] : memref<1024x64xf32, #tpu.memory_space<vmem>> -> memref<128x64xf32, #tpu.memory_space<vmem>>
    %dma_start3A_46 = arith.constant 0 : i32
    %dma_start3A_47 = tpu.memref_slice %arg5[%dma_start3A_42, %dma_start3A_46] : memref<8x128xi32, #tpu.memory_space<vmem>> -> memref<1x128xi32, #tpu.memory_space<vmem>>
    %dma_start3A_48 = tpu.memref_squeeze %dma_start3A_47 : memref<1x128xi32, #tpu.memory_space<vmem>> -> memref<128xi32, #tpu.memory_space<vmem>>
    %dma_start3A_49 = arith.constant 0 : i32
    %dma_start3A_50 = arith.constant 0 : i32
    %dma_start3A_51 = tpu.memref_slice %arg2[%dma_start3A_49, %dma_start3A_50] : memref<200000x64xf32, #tpu.memory_space<hbm>> -> memref<200000x64xf32, #tpu.memory_space<hbm>>
    tpu.enqueue_indirect_dma source(%dma_start3A_51 : memref<200000x64xf32, #tpu.memory_space<hbm>>) target(%dma_start3A_45 : memref<128x64xf32, #tpu.memory_space<vmem>>) offsets(%dma_start3A_48 : memref<128xi32, #tpu.memory_space<vmem>>) semaphore(%arg7 : memref<!tpu.dma_semaphore, #tpu.memory_space<semaphore_mem>>)
    %dma_start3A_52 = arith.constant 5 : i32
    %dma_start3A_53 = arith.constant 640 : i32
    %dma_start3A_54 = arith.constant 0 : i32
    %dma_start3A_55 = tpu.memref_slice %arg6[%dma_start3A_53, %dma_start3A_54] : memref<1024x64xf32, #tpu.memory_space<vmem>> -> memref<128x64xf32, #tpu.memory_space<vmem>>
    %dma_start3A_56 = arith.constant 0 : i32
    %dma_start3A_57 = tpu.memref_slice %arg5[%dma_start3A_52, %dma_start3A_56] : memref<8x128xi32, #tpu.memory_space<vmem>> -> memref<1x128xi32, #tpu.memory_space<vmem>>
    %dma_start3A_58 = tpu.memref_squeeze %dma_start3A_57 : memref<1x128xi32, #tpu.memory_space<vmem>> -> memref<128xi32, #tpu.memory_space<vmem>>
    %dma_start3A_59 = arith.constant 0 : i32
    %dma_start3A_60 = arith.constant 0 : i32
    %dma_start3A_61 = tpu.memref_slice %arg2[%dma_start3A_59, %dma_start3A_60] : memref<200000x64xf32, #tpu.memory_space<hbm>> -> memref<200000x64xf32, #tpu.memory_space<hbm>>
    tpu.enqueue_indirect_dma source(%dma_start3A_61 : memref<200000x64xf32, #tpu.memory_space<hbm>>) target(%dma_start3A_55 : memref<128x64xf32, #tpu.memory_space<vmem>>) offsets(%dma_start3A_58 : memref<128xi32, #tpu.memory_space<vmem>>) semaphore(%arg7 : memref<!tpu.dma_semaphore, #tpu.memory_space<semaphore_mem>>)
    %dma_start3A_62 = arith.constant 6 : i32
    %dma_start3A_63 = arith.constant 768 : i32
    %dma_start3A_64 = arith.constant 0 : i32
    %dma_start3A_65 = tpu.memref_slice %arg6[%dma_start3A_63, %dma_start3A_64] : memref<1024x64xf32, #tpu.memory_space<vmem>> -> memref<128x64xf32, #tpu.memory_space<vmem>>
    %dma_start3A_66 = arith.constant 0 : i32
    %dma_start3A_67 = tpu.memref_slice %arg5[%dma_start3A_62, %dma_start3A_66] : memref<8x128xi32, #tpu.memory_space<vmem>> -> memref<1x128xi32, #tpu.memory_space<vmem>>
    %dma_start3A_68 = tpu.memref_squeeze %dma_start3A_67 : memref<1x128xi32, #tpu.memory_space<vmem>> -> memref<128xi32, #tpu.memory_space<vmem>>
    %dma_start3A_69 = arith.constant 0 : i32
    %dma_start3A_70 = arith.constant 0 : i32
    %dma_start3A_71 = tpu.memref_slice %arg2[%dma_start3A_69, %dma_start3A_70] : memref<200000x64xf32, #tpu.memory_space<hbm>> -> memref<200000x64xf32, #tpu.memory_space<hbm>>
    tpu.enqueue_indirect_dma source(%dma_start3A_71 : memref<200000x64xf32, #tpu.memory_space<hbm>>) target(%dma_start3A_65 : memref<128x64xf32, #tpu.memory_space<vmem>>) offsets(%dma_start3A_68 : memref<128xi32, #tpu.memory_space<vmem>>) semaphore(%arg7 : memref<!tpu.dma_semaphore, #tpu.memory_space<semaphore_mem>>)
    %dma_start3A_72 = arith.constant 7 : i32
    %dma_start3A_73 = arith.constant 896 : i32
    %dma_start3A_74 = arith.constant 0 : i32
    %dma_start3A_75 = tpu.memref_slice %arg6[%dma_start3A_73, %dma_start3A_74] : memref<1024x64xf32, #tpu.memory_space<vmem>> -> memref<128x64xf32, #tpu.memory_space<vmem>>
    %dma_start3A_76 = arith.constant 0 : i32
    %dma_start3A_77 = tpu.memref_slice %arg5[%dma_start3A_72, %dma_start3A_76] : memref<8x128xi32, #tpu.memory_space<vmem>> -> memref<1x128xi32, #tpu.memory_space<vmem>>
    %dma_start3A_78 = tpu.memref_squeeze %dma_start3A_77 : memref<1x128xi32, #tpu.memory_space<vmem>> -> memref<128xi32, #tpu.memory_space<vmem>>
    %dma_start3A_79 = arith.constant 0 : i32
    %dma_start3A_80 = arith.constant 0 : i32
    %dma_start3A_81 = tpu.memref_slice %arg2[%dma_start3A_79, %dma_start3A_80] : memref<200000x64xf32, #tpu.memory_space<hbm>> -> memref<200000x64xf32, #tpu.memory_space<hbm>>
    tpu.enqueue_indirect_dma source(%dma_start3A_81 : memref<200000x64xf32, #tpu.memory_space<hbm>>) target(%dma_start3A_75 : memref<128x64xf32, #tpu.memory_space<vmem>>) offsets(%dma_start3A_78 : memref<128xi32, #tpu.memory_space<vmem>>) semaphore(%arg7 : memref<!tpu.dma_semaphore, #tpu.memory_space<semaphore_mem>>)
    %dma_wait3A = arith.constant 0 : i32
    %dma_wait3A_82 = arith.constant 0 : i32
    %dma_wait3A_83 = arith.constant 0 : i32
    %dma_wait3A_84 = tpu.memref_slice %arg6[%dma_wait3A_82, %dma_wait3A_83] : memref<1024x64xf32, #tpu.memory_space<vmem>> -> memref<128x64xf32, #tpu.memory_space<vmem>>
    %dma_wait3A_85 = arith.constant 0 : i32
    %dma_wait3A_86 = tpu.memref_slice %arg5[%dma_wait3A, %dma_wait3A_85] : memref<8x128xi32, #tpu.memory_space<vmem>> -> memref<1x128xi32, #tpu.memory_space<vmem>>
    %dma_wait3A_87 = tpu.memref_squeeze %dma_wait3A_86 : memref<1x128xi32, #tpu.memory_space<vmem>> -> memref<128xi32, #tpu.memory_space<vmem>>
    %dma_wait3A_88 = arith.constant 0 : i32
    %dma_wait3A_89 = arith.constant 0 : i32
    %dma_wait3A_90 = tpu.memref_slice %arg2[%dma_wait3A_88, %dma_wait3A_89] : memref<200000x64xf32, #tpu.memory_space<hbm>> -> memref<200000x64xf32, #tpu.memory_space<hbm>>
    tpu.wait_indirect_dma semaphore(%arg7 : memref<!tpu.dma_semaphore, #tpu.memory_space<semaphore_mem>>) src(%dma_wait3A_90 : memref<200000x64xf32, #tpu.memory_space<hbm>>) dst(%dma_wait3A_84 : memref<128x64xf32, #tpu.memory_space<vmem>>)
    %dma_wait3A_91 = arith.constant 1 : i32
    %dma_wait3A_92 = arith.constant 128 : i32
    %dma_wait3A_93 = arith.constant 0 : i32
    %dma_wait3A_94 = tpu.memref_slice %arg6[%dma_wait3A_92, %dma_wait3A_93] : memref<1024x64xf32, #tpu.memory_space<vmem>> -> memref<128x64xf32, #tpu.memory_space<vmem>>
    %dma_wait3A_95 = arith.constant 0 : i32
    %dma_wait3A_96 = tpu.memref_slice %arg5[%dma_wait3A_91, %dma_wait3A_95] : memref<8x128xi32, #tpu.memory_space<vmem>> -> memref<1x128xi32, #tpu.memory_space<vmem>>
    %dma_wait3A_97 = tpu.memref_squeeze %dma_wait3A_96 : memref<1x128xi32, #tpu.memory_space<vmem>> -> memref<128xi32, #tpu.memory_space<vmem>>
    %dma_wait3A_98 = arith.constant 0 : i32
    %dma_wait3A_99 = arith.constant 0 : i32
    %dma_wait3A_100 = tpu.memref_slice %arg2[%dma_wait3A_98, %dma_wait3A_99] : memref<200000x64xf32, #tpu.memory_space<hbm>> -> memref<200000x64xf32, #tpu.memory_space<hbm>>
    tpu.wait_indirect_dma semaphore(%arg7 : memref<!tpu.dma_semaphore, #tpu.memory_space<semaphore_mem>>) src(%dma_wait3A_100 : memref<200000x64xf32, #tpu.memory_space<hbm>>) dst(%dma_wait3A_94 : memref<128x64xf32, #tpu.memory_space<vmem>>)
    %dma_wait3A_101 = arith.constant 2 : i32
    %dma_wait3A_102 = arith.constant 256 : i32
    %dma_wait3A_103 = arith.constant 0 : i32
    %dma_wait3A_104 = tpu.memref_slice %arg6[%dma_wait3A_102, %dma_wait3A_103] : memref<1024x64xf32, #tpu.memory_space<vmem>> -> memref<128x64xf32, #tpu.memory_space<vmem>>
    %dma_wait3A_105 = arith.constant 0 : i32
    %dma_wait3A_106 = tpu.memref_slice %arg5[%dma_wait3A_101, %dma_wait3A_105] : memref<8x128xi32, #tpu.memory_space<vmem>> -> memref<1x128xi32, #tpu.memory_space<vmem>>
    %dma_wait3A_107 = tpu.memref_squeeze %dma_wait3A_106 : memref<1x128xi32, #tpu.memory_space<vmem>> -> memref<128xi32, #tpu.memory_space<vmem>>
    %dma_wait3A_108 = arith.constant 0 : i32
    %dma_wait3A_109 = arith.constant 0 : i32
    %dma_wait3A_110 = tpu.memref_slice %arg2[%dma_wait3A_108, %dma_wait3A_109] : memref<200000x64xf32, #tpu.memory_space<hbm>> -> memref<200000x64xf32, #tpu.memory_space<hbm>>
    tpu.wait_indirect_dma semaphore(%arg7 : memref<!tpu.dma_semaphore, #tpu.memory_space<semaphore_mem>>) src(%dma_wait3A_110 : memref<200000x64xf32, #tpu.memory_space<hbm>>) dst(%dma_wait3A_104 : memref<128x64xf32, #tpu.memory_space<vmem>>)
    %dma_wait3A_111 = arith.constant 3 : i32
    %dma_wait3A_112 = arith.constant 384 : i32
    %dma_wait3A_113 = arith.constant 0 : i32
    %dma_wait3A_114 = tpu.memref_slice %arg6[%dma_wait3A_112, %dma_wait3A_113] : memref<1024x64xf32, #tpu.memory_space<vmem>> -> memref<128x64xf32, #tpu.memory_space<vmem>>
    %dma_wait3A_115 = arith.constant 0 : i32
    %dma_wait3A_116 = tpu.memref_slice %arg5[%dma_wait3A_111, %dma_wait3A_115] : memref<8x128xi32, #tpu.memory_space<vmem>> -> memref<1x128xi32, #tpu.memory_space<vmem>>
    %dma_wait3A_117 = tpu.memref_squeeze %dma_wait3A_116 : memref<1x128xi32, #tpu.memory_space<vmem>> -> memref<128xi32, #tpu.memory_space<vmem>>
    %dma_wait3A_118 = arith.constant 0 : i32
    %dma_wait3A_119 = arith.constant 0 : i32
    %dma_wait3A_120 = tpu.memref_slice %arg2[%dma_wait3A_118, %dma_wait3A_119] : memref<200000x64xf32, #tpu.memory_space<hbm>> -> memref<200000x64xf32, #tpu.memory_space<hbm>>
    tpu.wait_indirect_dma semaphore(%arg7 : memref<!tpu.dma_semaphore, #tpu.memory_space<semaphore_mem>>) src(%dma_wait3A_120 : memref<200000x64xf32, #tpu.memory_space<hbm>>) dst(%dma_wait3A_114 : memref<128x64xf32, #tpu.memory_space<vmem>>)
    %dma_wait3A_121 = arith.constant 4 : i32
    %dma_wait3A_122 = arith.constant 512 : i32
    %dma_wait3A_123 = arith.constant 0 : i32
    %dma_wait3A_124 = tpu.memref_slice %arg6[%dma_wait3A_122, %dma_wait3A_123] : memref<1024x64xf32, #tpu.memory_space<vmem>> -> memref<128x64xf32, #tpu.memory_space<vmem>>
    %dma_wait3A_125 = arith.constant 0 : i32
    %dma_wait3A_126 = tpu.memref_slice %arg5[%dma_wait3A_121, %dma_wait3A_125] : memref<8x128xi32, #tpu.memory_space<vmem>> -> memref<1x128xi32, #tpu.memory_space<vmem>>
    %dma_wait3A_127 = tpu.memref_squeeze %dma_wait3A_126 : memref<1x128xi32, #tpu.memory_space<vmem>> -> memref<128xi32, #tpu.memory_space<vmem>>
    %dma_wait3A_128 = arith.constant 0 : i32
    %dma_wait3A_129 = arith.constant 0 : i32
    %dma_wait3A_130 = tpu.memref_slice %arg2[%dma_wait3A_128, %dma_wait3A_129] : memref<200000x64xf32, #tpu.memory_space<hbm>> -> memref<200000x64xf32, #tpu.memory_space<hbm>>
    tpu.wait_indirect_dma semaphore(%arg7 : memref<!tpu.dma_semaphore, #tpu.memory_space<semaphore_mem>>) src(%dma_wait3A_130 : memref<200000x64xf32, #tpu.memory_space<hbm>>) dst(%dma_wait3A_124 : memref<128x64xf32, #tpu.memory_space<vmem>>)
    %dma_wait3A_131 = arith.constant 5 : i32
    %dma_wait3A_132 = arith.constant 640 : i32
    %dma_wait3A_133 = arith.constant 0 : i32
    %dma_wait3A_134 = tpu.memref_slice %arg6[%dma_wait3A_132, %dma_wait3A_133] : memref<1024x64xf32, #tpu.memory_space<vmem>> -> memref<128x64xf32, #tpu.memory_space<vmem>>
    %dma_wait3A_135 = arith.constant 0 : i32
    %dma_wait3A_136 = tpu.memref_slice %arg5[%dma_wait3A_131, %dma_wait3A_135] : memref<8x128xi32, #tpu.memory_space<vmem>> -> memref<1x128xi32, #tpu.memory_space<vmem>>
    %dma_wait3A_137 = tpu.memref_squeeze %dma_wait3A_136 : memref<1x128xi32, #tpu.memory_space<vmem>> -> memref<128xi32, #tpu.memory_space<vmem>>
    %dma_wait3A_138 = arith.constant 0 : i32
    %dma_wait3A_139 = arith.constant 0 : i32
    %dma_wait3A_140 = tpu.memref_slice %arg2[%dma_wait3A_138, %dma_wait3A_139] : memref<200000x64xf32, #tpu.memory_space<hbm>> -> memref<200000x64xf32, #tpu.memory_space<hbm>>
    tpu.wait_indirect_dma semaphore(%arg7 : memref<!tpu.dma_semaphore, #tpu.memory_space<semaphore_mem>>) src(%dma_wait3A_140 : memref<200000x64xf32, #tpu.memory_space<hbm>>) dst(%dma_wait3A_134 : memref<128x64xf32, #tpu.memory_space<vmem>>)
    %dma_wait3A_141 = arith.constant 6 : i32
    %dma_wait3A_142 = arith.constant 768 : i32
    %dma_wait3A_143 = arith.constant 0 : i32
    %dma_wait3A_144 = tpu.memref_slice %arg6[%dma_wait3A_142, %dma_wait3A_143] : memref<1024x64xf32, #tpu.memory_space<vmem>> -> memref<128x64xf32, #tpu.memory_space<vmem>>
    %dma_wait3A_145 = arith.constant 0 : i32
    %dma_wait3A_146 = tpu.memref_slice %arg5[%dma_wait3A_141, %dma_wait3A_145] : memref<8x128xi32, #tpu.memory_space<vmem>> -> memref<1x128xi32, #tpu.memory_space<vmem>>
    %dma_wait3A_147 = tpu.memref_squeeze %dma_wait3A_146 : memref<1x128xi32, #tpu.memory_space<vmem>> -> memref<128xi32, #tpu.memory_space<vmem>>
    %dma_wait3A_148 = arith.constant 0 : i32
    %dma_wait3A_149 = arith.constant 0 : i32
    %dma_wait3A_150 = tpu.memref_slice %arg2[%dma_wait3A_148, %dma_wait3A_149] : memref<200000x64xf32, #tpu.memory_space<hbm>> -> memref<200000x64xf32, #tpu.memory_space<hbm>>
    tpu.wait_indirect_dma semaphore(%arg7 : memref<!tpu.dma_semaphore, #tpu.memory_space<semaphore_mem>>) src(%dma_wait3A_150 : memref<200000x64xf32, #tpu.memory_space<hbm>>) dst(%dma_wait3A_144 : memref<128x64xf32, #tpu.memory_space<vmem>>)
    %dma_wait3A_151 = arith.constant 7 : i32
    %dma_wait3A_152 = arith.constant 896 : i32
    %dma_wait3A_153 = arith.constant 0 : i32
    %dma_wait3A_154 = tpu.memref_slice %arg6[%dma_wait3A_152, %dma_wait3A_153] : memref<1024x64xf32, #tpu.memory_space<vmem>> -> memref<128x64xf32, #tpu.memory_space<vmem>>
    %dma_wait3A_155 = arith.constant 0 : i32
    %dma_wait3A_156 = tpu.memref_slice %arg5[%dma_wait3A_151, %dma_wait3A_155] : memref<8x128xi32, #tpu.memory_space<vmem>> -> memref<1x128xi32, #tpu.memory_space<vmem>>
    %dma_wait3A_157 = tpu.memref_squeeze %dma_wait3A_156 : memref<1x128xi32, #tpu.memory_space<vmem>> -> memref<128xi32, #tpu.memory_space<vmem>>
    %dma_wait3A_158 = arith.constant 0 : i32
    %dma_wait3A_159 = arith.constant 0 : i32
    %dma_wait3A_160 = tpu.memref_slice %arg2[%dma_wait3A_158, %dma_wait3A_159] : memref<200000x64xf32, #tpu.memory_space<hbm>> -> memref<200000x64xf32, #tpu.memory_space<hbm>>
    tpu.wait_indirect_dma semaphore(%arg7 : memref<!tpu.dma_semaphore, #tpu.memory_space<semaphore_mem>>) src(%dma_wait3A_160 : memref<200000x64xf32, #tpu.memory_space<hbm>>) dst(%dma_wait3A_154 : memref<128x64xf32, #tpu.memory_space<vmem>>)
    %jit3A = arith.constant 2 : i32
    %div3A = arith.divsi %add3A, %jit3A : i32
    %sign3A = arith.constant 0 : i32
    %sign3A_161 = arith.cmpi sgt, %add3A, %sign3A : i32
    %sign3A_162 = arith.extui %sign3A_161 : i1 to i32
    %sign3A_163 = arith.constant 0 : i32
    %sign3A_164 = arith.cmpi slt, %add3A, %sign3A_163 : i32
    %sign3A_165 = arith.extui %sign3A_164 : i1 to i32
    %sign3A_166 = arith.subi %sign3A_162, %sign3A_165 : i32
    %sign3A_167 = arith.constant 0 : i32
    %sign3A_168 = arith.cmpi sgt, %jit3A, %sign3A_167 : i32
    %sign3A_169 = arith.extui %sign3A_168 : i1 to i32
    %sign3A_170 = arith.constant 0 : i32
    %sign3A_171 = arith.cmpi slt, %jit3A, %sign3A_170 : i32
    %sign3A_172 = arith.extui %sign3A_171 : i1 to i32
    %sign3A_173 = arith.subi %sign3A_169, %sign3A_172 : i32
    %ne3A = arith.cmpi ne, %sign3A_166, %sign3A_173 : i32
    %rem3A = arith.remsi %add3A, %jit3A : i32
    %ne3A_174 = arith.constant 0 : i32
    %ne3A_175 = arith.cmpi ne, %rem3A, %ne3A_174 : i32
    %and3A = arith.andi %ne3A, %ne3A_175 : i1
    %sub3A = arith.constant 1 : i32
    %sub3A_176 = arith.subi %div3A, %sub3A : i32
    %select_n3A = arith.select %and3A, %sub3A_176, %div3A : i32
    %jit3A_177 = arith.constant 2 : i32
    %eq3A = arith.constant 0 : i32
    %eq3A_178 = arith.cmpi eq, %jit3A_177, %eq3A : i32
    %jit3A_179 = arith.constant 1 : i32
    %select_n3A_180 = arith.select %eq3A_178, %jit3A_179, %jit3A_177 : i32
    %rem3A_181 = arith.remsi %add3A, %select_n3A_180 : i32
    %ne3A_182 = arith.constant 0 : i32
    %ne3A_183 = arith.cmpi ne, %rem3A_181, %ne3A_182 : i32
    %lt3A = arith.constant 0 : i32
    %lt3A_184 = arith.cmpi slt, %rem3A_181, %lt3A : i32
    %lt3A_185 = arith.constant 0 : i32
    %lt3A_186 = arith.cmpi slt, %select_n3A_180, %lt3A_185 : i32
    %ne3A_187 = arith.xori %lt3A_184, %lt3A_186 : i1
    %and3A_188 = arith.andi %ne3A_187, %ne3A_183 : i1
    %add3A_189 = arith.addi %rem3A_181, %select_n3A_180 : i32
    %select_n3A_190 = arith.select %and3A_188, %add3A_189, %rem3A_181 : i32
    %mul3A_191 = arith.constant 1024 : i32
    %mul3A_192 = arith.muli %select_n3A_190, %mul3A_191 : i32
    "tpu.region"() ({
      %run_scoped3A = tpu.sem_alloc : memref<!tpu.dma_semaphore, #tpu.memory_space<semaphore_mem>>
      %dma_start3A_193 = arith.constant 0 : i32
      %dma_start3A_194 = tpu.memref_slice %arg4[%select_n3A, %mul3A_192, %dma_start3A_193] : memref<16x2048x64xf32, #tpu.memory_space<hbm>> -> memref<1x1024x64xf32, #tpu.memory_space<hbm>>
      %dma_start3A_195 = tpu.memref_squeeze %dma_start3A_194 : memref<1x1024x64xf32, #tpu.memory_space<hbm>> -> memref<1024x64xf32, #tpu.memory_space<hbm>>
      %dma_start3A_196 = arith.constant 0 : i32
      %dma_start3A_197 = tpu.memref_slice %arg4[%select_n3A, %mul3A_192, %dma_start3A_196] : memref<16x2048x64xf32, #tpu.memory_space<hbm>> -> memref<1x1024x64xf32, #tpu.memory_space<hbm>>
      %dma_start3A_198 = tpu.memref_squeeze %dma_start3A_197 : memref<1x1024x64xf32, #tpu.memory_space<hbm>> -> memref<1024x64xf32, #tpu.memory_space<hbm>>
      tpu.enqueue_dma source(%arg6 : memref<1024x64xf32, #tpu.memory_space<vmem>>) target(%dma_start3A_198 : memref<1024x64xf32, #tpu.memory_space<hbm>>) target_semaphore(%run_scoped3A : memref<!tpu.dma_semaphore, #tpu.memory_space<semaphore_mem>>)
      %dma_wait3A_199 = arith.constant 0 : i32
      %dma_wait3A_200 = tpu.memref_slice %arg4[%select_n3A, %mul3A_192, %dma_wait3A_199] : memref<16x2048x64xf32, #tpu.memory_space<hbm>> -> memref<1x1024x64xf32, #tpu.memory_space<hbm>>
      %dma_wait3A_201 = tpu.memref_squeeze %dma_wait3A_200 : memref<1x1024x64xf32, #tpu.memory_space<hbm>> -> memref<1024x64xf32, #tpu.memory_space<hbm>>
      %dma_wait3A_202 = arith.constant 0 : i32
      %dma_wait3A_203 = tpu.memref_slice %arg4[%select_n3A, %mul3A_192, %dma_wait3A_202] : memref<16x2048x64xf32, #tpu.memory_space<hbm>> -> memref<1x1024x64xf32, #tpu.memory_space<hbm>>
      %dma_wait3A_204 = tpu.memref_squeeze %dma_wait3A_203 : memref<1x1024x64xf32, #tpu.memory_space<hbm>> -> memref<1024x64xf32, #tpu.memory_space<hbm>>
      tpu.wait_dma2 semaphore(%run_scoped3A : memref<!tpu.dma_semaphore, #tpu.memory_space<semaphore_mem>>) src(%arg6 : memref<1024x64xf32, #tpu.memory_space<vmem>>) dst(%dma_wait3A_204 : memref<1024x64xf32, #tpu.memory_space<hbm>>)
      tpu.yield
    }) : () -> ()
    return
  }
}

module attributes {stable_mosaic.version = 14 : i64} {
  func.func @_mask_body(%arg0: memref<16x2048xi32, #tpu.memory_space<vmem>>, %arg1: memref<16x2048xi32, #tpu.memory_space<vmem>>, %arg2: memref<16x2048xi32, #tpu.memory_space<vmem>>, %arg3: memref<16x2048xi32, #tpu.memory_space<vmem>>) attributes {dimension_semantics = [], scalar_prefetch = 0 : i64, scratch_operands = 0 : i64, tpu.core_type = #tpu.core_type<tc>} {
    %get3A = arith.constant 0 : index
    %get3A_0 = arith.constant 0 : index
    %get3A_1 = vector.load %arg1[%get3A, %get3A_0] : memref<16x2048xi32, #tpu.memory_space<vmem>>, vector<16x2048xi32>
    %eq3A = arith.constant 1 : i32
    %eq3A_2 = vector.broadcast %eq3A : i32 to vector<16x2048xi32>
    %eq3A_3 = arith.cmpi eq, %get3A_1, %eq3A_2 : vector<16x2048xi32>
    %swap3A = arith.constant 0 : index
    %swap3A_4 = arith.constant 0 : index
    %swap3A_5 = vector.load %arg2[%swap3A, %swap3A_4] : memref<16x2048xi32, #tpu.memory_space<vmem>>, vector<16x2048xi32>
    %swap3A_6 = arith.extui %eq3A_3 : vector<16x2048xi1> to vector<16x2048xi32>
    %swap3A_7 = arith.constant dense<0> : vector<16x2048xi32>
    %swap3A_8 = arith.cmpi ne, %swap3A_5, %swap3A_7 : vector<16x2048xi32>
    tpu.vector_store %arg2[%swap3A, %swap3A_4], %swap3A_6 {strides = array<i32>} : memref<16x2048xi32, #tpu.memory_space<vmem>>, vector<16x2048xi32>,
    %get3A_9 = arith.constant 0 : index
    %get3A_10 = arith.constant 0 : index
    %get3A_11 = vector.load %arg0[%get3A_9, %get3A_10] : memref<16x2048xi32, #tpu.memory_space<vmem>>, vector<16x2048xi32>
    %eq3A_12 = arith.constant 151669 : i32
    %eq3A_13 = vector.broadcast %eq3A_12 : i32 to vector<16x2048xi32>
    %eq3A_14 = arith.cmpi eq, %get3A_11, %eq3A_13 : vector<16x2048xi32>
    %swap3A_15 = arith.constant 0 : index
    %swap3A_16 = arith.constant 0 : index
    %swap3A_17 = vector.load %arg3[%swap3A_15, %swap3A_16] : memref<16x2048xi32, #tpu.memory_space<vmem>>, vector<16x2048xi32>
    %swap3A_18 = arith.extui %eq3A_14 : vector<16x2048xi1> to vector<16x2048xi32>
    %swap3A_19 = arith.constant dense<0> : vector<16x2048xi32>
    %swap3A_20 = arith.cmpi ne, %swap3A_17, %swap3A_19 : vector<16x2048xi32>
    tpu.vector_store %arg3[%swap3A_15, %swap3A_16], %swap3A_18 {strides = array<i32>} : memref<16x2048xi32, #tpu.memory_space<vmem>>, vector<16x2048xi32>,
    return
  }
}

</mosaic_0001>

<sc_bundles>
// kernel: kernel.4.cloned.1.call-start
scs
__scs_entry_jumppad:
0x0: {  	(pc) =	sbr.rel $0x88, $3  }
0x1: {  	(tag) =	ssettag $0x0;
	lr =	simm.s32 $0x1  }
0x2: {  	[smem:$0x3F9E] =	sst lr;
	_ =	strace $0xD0000000  }
0x3: {  	_ = 	snop  }
0x4: {  	_ = 	snop  }
0x5: {  	_ = 	snop  }
0x6: {  	_ = 	snop  }
0x7: {  	_ = 	snop  }
__scs_overlays_trampoline_lowered:
0x8: {  	[smem:$0x3FAD] =	sst s0  }
0x9: {  	[smem:$0x3FAE] =	sst s1  }
0xa: {  	[smem:$0x3FAF] =	sst s2  }
0xb: {  	[smem:$0x3FB0] =	sst s3  }
0xc: {  	[smem:$0x3FB1] =	sst s4  }
0xd: {  	[smem:$0x3FB2] =	sst s5  }
0xe: {  	[smem:$0x3FB3] =	sst s6  }
0xf: {  	[smem:$0x3FB4] =	sst s7  }
0x10: {  	[smem:$0x3FB5] =	sst s8  }
0x11: {  	[smem:$0x3FB6] =	sst s9;
	s0 =	simm.s32 @!p0 $0x0  }
0x12: {  	s1 =	sld [smem:$0x3F9C];
	s0 =	simm.s32 @p0 $0x1  }
0x13: {  	[smem:$0x3FB7] =	sst s0;
	s0 =	simm.s32 @!p1 $0x0  }
0x14: {  	s2 =	sld [smem:$0x3F9B];
	s0 =	simm.s32 @p1 $0x1  }
0x15: {  	[smem:$0x3FB8] =	sst s0;
	s0 =	simm.s32 @!p2 $0x0  }
0x16: {  	s3 =	sld [smem:$0x3FDB];
	s0 =	simm.s32 @p2 $0x1  }
0x17: {  	s4 =	simm.s32 $0x1BF5;
	[smem:$0x3FBA] =	sst s0  }
0x18: {  	s0 =	sld [smem:$0x3F9D];
	_ =	swait.ge [sflag:s4], $0x0  }
0x19: {  	s7 =	sld [smem:$0x3F9E]  }
0x1a: {  	s8 =	sadd.s32 $0xFFFFE003, lr  }
0x1b: {  	s9 =	sadd.s32 $0xFFFFFEF7, lr;
	s5 =	simm.s32 $0xFFFFFFFF;
	p2 =	slt.u32 s8, $0xFFFFF086  }
0x1c: {  	p1 =	slt.u32 s9, $0xF7A;
	s5 =	simm.s32 @!p2 $0x0  }
0x1d: {  	s5 =	simm.s32 @p1 $0x1;
	p0 =	seq.s32 s7, s2  }
0x1e: {  	s7 =	smul.u32 @!p0 $0xF7A, s2;
	p2 =	seq.s32 @!p0 s5, $0x0  }
0x1f: {  	s9 =	smul.u32 $0xF7A, s1;
	s8 =	simm.s32 @!p0 $0x1BF5;
	p2 =	por !p2, p0  }
0x20: {  	[sflag:s8] =	ssyncset.s32 @!p0 $0xFFFFF086;
	s6 =	sadd.s32 @!p0 s3, s7;
	s7 =	simm.s32 @!p0 $0x108  }
0x21: {  	s3 =	sadd.s32 s3, s9;
	s6 =	sadd.s32 @!p0 $0x88, s6;
	s7 =	simm.s32 @p2 $0x1082  }
0x22: {  	[simem:s7], [sflag:s8] =	dma.local @!p0 [hbm:s6], $0xF7A  }
0x23: {  	s9 =	sor.u32 $0xD0000000, s2;
	s6 =	simm.s32 $0x108;
	_ =	swait.ge @!p0 [sflag:s8], $0x0  }
0x24: {  	s3 =	sadd.s32 $0x88, s3;
	s6 =	simm.s32 @!p1 $0x1082;
	[sflag:s4] =	ssyncset.s32 $0xFFFFF086  }
0x25: {  	[simem:s6], [sflag:s4] =	dma.local [hbm:s3], $0xF7A  }
0x26: {  	[smem:$0x3F9E] =	sst s1;
	(tag) =	ssettag s2;
	_ =	strace s9  }
0x27: {  	s1 =	sld [smem:$0x3FAE]  }
0x28: {  	s2 =	sld [smem:$0x3FAF]  }
0x29: {  	s4 =	sld [smem:$0x3FB1]  }
0x2a: {  	p0 =	seq.s32 s5, $0x0;
	s5 =	sld [smem:$0x3FB2]  }
0x2b: {  	s6 =	sld [smem:$0x3FB3]  }
0x2c: {  	s7 =	sld [smem:$0x3FB4]  }
0x2d: {  	s3 =	simm.s32 $0x108;
	s8 =	sld [smem:$0x3FB5]  }
0x2e: {  	s3 =	simm.s32 @!p0 $0x1082;
	s9 =	sld [smem:$0x3FB6]  }
0x2f: {  	lr =	sadd.s32 s0, s3;
	s0 =	sld [smem:$0x3FAD]  }
0x30: {  	s3 =	sld [smem:$0x3FB0]  }
0x31: {  	[smem:$0x3FB9] =	sst s10  }
0x32: {  	s10 =	sld [smem:$0x3FB7];
	_ =	sdelay $0x3  }
0x33: {  	p0 =	seq.s32 s10, $0x1;
	s10 =	sld [smem:$0x3FB9];
	_ =	sdelay $0x3  }
0x34: {  	[smem:$0x3FB9] =	sst s10  }
0x35: {  	s10 =	sld [smem:$0x3FB8];
	_ =	sdelay $0x3  }
0x36: {  	p1 =	seq.s32 s10, $0x1;
	s10 =	sld [smem:$0x3FB9];
	_ =	sdelay $0x3  }
0x37: {  	[smem:$0x3FB9] =	sst s10  }
0x38: {  	s10 =	sld [smem:$0x3FBA]  }
0x39: {  	_ = 	snop;
	(pc) =	sbr.ind lr, $3  }
0x3a: {  	_ = 	snop  }
0x3b: {  	_ = 	snop  }
0x3c: {  	p2 =	seq.s32 s10, $0x1;
	s10 =	sld [smem:$0x3FB9]  }
0x3d: {  	_ =	shalt  }
0x3e: {  	_ =	shalt  }
0x3f: {  	_ =	shalt  }
0x40: {  	_ =	shalt  }
0x41: {  	_ =	shalt  }
0x42: {  	_ =	shalt  }
0x43: {  	_ =	shalt  }
0x44: {  	_ =	shalt  }
0x45: {  	_ =	shalt  }
0x46: {  	_ =	shalt  }
0x47: {  	_ =	shalt  }
0x48: {  	_ =	shalt  }
0x49: {  	_ =	shalt  }
0x4a: {  	_ =	shalt  }
0x4b: {  	_ =	shalt  }
0x4c: {  	_ =	shalt  }
0x4d: {  	_ =	shalt  }
0x4e: {  	_ =	shalt  }
0x4f: {  	_ =	shalt  }
0x50: {  	_ =	shalt  }
0x51: {  	_ =	shalt  }
0x52: {  	_ =	shalt  }
0x53: {  	_ =	shalt  }
0x54: {  	_ =	shalt  }
0x55: {  	_ =	shalt  }
0x56: {  	_ =	shalt  }
0x57: {  	_ =	shalt  }
0x58: {  	_ =	shalt  }
0x59: {  	_ =	shalt  }
0x5a: {  	_ =	shalt  }
0x5b: {  	_ =	shalt  }
0x5c: {  	_ =	shalt  }
0x5d: {  	_ =	shalt  }
0x5e: {  	_ =	shalt  }
0x5f: {  	_ =	shalt  }
0x60: {  	_ =	shalt  }
0x61: {  	_ =	shalt  }
0x62: {  	_ =	shalt  }
0x63: {  	_ =	shalt  }
0x64: {  	_ =	shalt  }
0x65: {  	_ =	shalt  }
0x66: {  	_ =	shalt  }
0x67: {  	_ =	shalt  }
0x68: {  	_ =	shalt  }
0x69: {  	_ =	shalt  }
0x6a: {  	_ =	shalt  }
0x6b: {  	_ =	shalt  }
0x6c: {  	_ =	shalt  }
0x6d: {  	_ =	shalt  }
0x6e: {  	_ =	shalt  }
0x6f: {  	_ =	shalt  }
0x70: {  	_ =	shalt  }
0x71: {  	_ =	shalt  }
0x72: {  	_ =	shalt  }
0x73: {  	_ =	shalt  }
0x74: {  	_ =	shalt  }
0x75: {  	_ =	shalt  }
0x76: {  	_ =	shalt  }
0x77: {  	_ =	shalt  }
0x78: {  	_ =	shalt  }
0x79: {  	_ =	shalt  }
0x7a: {  	_ =	shalt  }
0x7b: {  	_ =	shalt  }
0x7c: {  	_ =	shalt  }
0x7d: {  	_ =	shalt  }
0x7e: {  	_ =	shalt  }
0x7f: {  	_ =	shalt  }
0x80: {  	_ =	shalt  }
0x81: {  	_ =	shalt  }
0x82: {  	_ =	shalt  }
0x83: {  	_ =	shalt  }
0x84: {  	_ =	shalt  }
0x85: {  	_ =	shalt  }
0x86: {  	_ =	shalt  }
0x87: {  	_ =	shalt  }
.Lfunc_end0:
.L_simem_size_0:
called_computation_lowered:
.L_overlay_start_0:
0x88: {  	s2 =	sld [smem:$0x3FD9]  }
0x89: {  	s3 =	sld [smem:$0x3FFE];
	_ =	sdelay $0x1  }
0x8a: {  	s1 =	srdreg.scid  }
0x8b: {  	s0 =	sand.u32 $0x1, s1  }
0x8c: {  	s14 =	sshll.u32 s0, $0xA;
	s2 =	sadd.s32 s3, s2  }
0x8d: {  	s2 =	sadd.s32 s2, s14  }
0x8e: {  	[smem:$0x3FC5] =	sst s2  }
0x8f: {  	_ = 	snop  }
0x90: {  	s2 =	sld [smem:$0x3FD0];
	_ =	sdelay $0x2  }
0x91: {  	s15 =	simm.s32 $0xA;
	s4 =	simm.s32 $0x10  }
0x92: {  	[smem:s4], [sflag:s15] =	dma.local [hbm:s2], $0x1  }
0x93: {  	_ =	swait.eq [sflag:s15], $0x1  }
0x94: {  	[sflag:s15] =	ssyncset.done $0x0  }
0x95: {  	[sflag:s15] =	ssyncadd.s32 $0xFFFFFFFF  }
0x96: {  	s16 =	sld [smem:$0x10];
	(tm) =	ssettm $0x1  }
0x97: {  	s17 =	sld [smem:$0x3FFB];
	_ =	sdelay $0x3  }
0x98: {  	_ =	strace s17  }
0x99: {  	s3 =	sld [smem:$0x3FFC];
	_ =	sdelay $0x3  }
0x9a: {  	_ =	strace s3  }
0x9b: {  	s3 =	sld [smem:$0x3FFD];
	_ =	sdelay $0x3  }
0x9c: {  	_ =	strace s3  }
0x9d: {  	_ =	strace $0x8FFFFFFF  }
0x9e: {  	s18 =	sld [smem:$0x3FDB];
	_ =	sdelay $0x1  }
0x9f: {  	s19 =	simm.s32 $_scs_section_size  }
0xa0: {  	s5 =	simm.s32 $_size__tile_overlayer_lowered;
	s6 =	simm.s32 $_tile_overlayer_lowered  }
0xa1: {  	s22 =	simm.s32 $0x1BFF;
	s21 =	sshll.u32 s6, $0x1;
	s3 =	sadd.s32 s19, s18  }
0xa2: {  	s7 =	simm.s32 $0x0;
	s20 =	sshll.u32 s5, $0x1;
	s5 =	sadd.s32 s21, s3  }
0xa3: {  	[timem:s7], [sflag:s22] =	dma.local [hbm:s5], s20  }
0xa4: {  	_ =	swait.ge [sflag:s22], s20  }
0xa5: {  	s4 =	ssub.s32 $0x0, s20;
	[sflag:s22] =	ssyncset.done $0x0  }
0xa6: {  	[sflag:s22] =	ssyncadd.s32 s4;
	_ =	sdelay $0x1  }
0xa7: {  	s23 =	simm.s32 $0x1B8B  }
0xa8: {  	_ =	swait.ge [sflag:s23], $0x1  }
0xa9: {  	[sflag:s23] =	ssyncset.done $0x0  }
0xaa: {  	s25 =	simm.s32 $0x1B8E;
	s24 =	sld [smem:$0x3FFE];
	[sflag:s23] =	ssyncadd.s32 $0xFFFFFFFF  }
0xab: {  	s26 =	simm.s32 $execute0_lowered;
	[smem:$0x3FD2] =	sst s25  }
0xac: {  	s5 =	sshll.u32 s26, $0x1;
	_ =	strace $0x80000046;
	[dreg:$0x1] =	wrdreg $0xFFFFFFFF  }
0xad: {  	s28 =	simm.s32 $_size_execute0_lowered;
	s3 =	sadd.s32 s3, s5;
	[dreg:$0x0] =	wrdreg $0x0  }
0xae: {  	s5 =	sshll.u32 s28, $0x1;
	[dreg:$0x2] =	wrdreg s3  }
0xaf: {  	[dreg:$0x3] =	wrdreg s5  }
0xb0: {  	[dreg:$0x4] =	wrdreg $0xC0  }
0xb1: {  	_ =	task [dreg:s7], $0x5FFFF  }
0xb2: {  	[dreg:$0x1] =	wrdreg $0xFFFFFFFF  }
0xb3: {  	[dreg:$0x0] =	wrdreg $0x60  }
0xb4: {  	[dreg:$0x2] =	wrdreg s24  }
0xb5: {  	[dreg:$0x3] =	wrdreg s16  }
0xb6: {  	[dreg:$0x4] =	wrdreg $0x9  }
0xb7: {  	_ =	task.clear_ibuf [dreg:s7], $0x5FFFF;
	_ =	strace $0x90000046  }
0xb8: {  	s29 =	simm.s32 $0x9;
	_ =	strace $0x80000048  }
0xb9: {  	_ =	swait.ge [sflag:s29], $0x1  }
0xba: {  	[sflag:s29] =	ssyncadd.s32 $0xFFFFFFFF  }
0xbb: {  	_ =	strace $0x90000048  }
0xbc: {  	_ =	sfence  }
0xbd: {  	s30 =	sld [smem:$0x0];
	_ =	sdelay $0x2  }
0xbe: {  	s31 =	sshll.u32 s1, $0xD;
	s1 =	sshrl.u32 s1, $0x2  }
0xbf: {  	s3 =	sand.u32 $0x4000, s31;
	s1 =	sadd.s32 s1, s30  }
0xc0: {  	s0 =	sor.u32 s3, s0;
	s1 =	sshll.u32 s1, $0x11  }
0xc1: {  	s0 =	sor.u32 s1, s0  }
0xc2: {  	s0 =	sadd.s32 $0x8F2B, s0  }
0xc3: {  	[sflag:s0] =	ssyncadd.remote.s32 $0x1  }
0xc4: {  	_ =	sfence.sel $0xFFFF  }
0xc5: {  	[dreg:$0x0] =	wrdreg $0xFFFFFFFF;
	(pc) =	sbr.abs _section_cstart, $3  }
0xc6: {  	[dreg:$0x1] =	wrdreg $0xFFFFFFFF  }
0xc7: {  	_ =	task.clear_ibuf [dreg:s7], $0x2FFFF;
	_ =	strace $0x9FFFFFFF  }
0xc8: {  	(tm) =	ssettm $0x7FFFFFFF  }
0xc9: {  	_ =	shalt  }
tec
execute0_lowered:
.L_overlay_start_1:
0x0: {  	(tag) =	ssettag $0x1  }
0x1: {  	s1 =	srdreg.scid;
	s0 =	stileid.u32  }
0x2: {  	s5 =	rddreg [dreg:$0x0];
	s23 =	sand.u32 $0x1, s1;
	s29 =	sshll.u32 s0, $0x1  }
0x3: {  	s22 =	rddreg [dreg:$0x1];
	s24 =	sor.u32 s23, s29  }
0x4: {  	s2 =	simm.s32 $0x0;
	s1 =	rddreg [dreg:$0x2];
	s3 =	sshll.u32 s24, $0x7  }
0x5: {  	[smem:$0x7FF] =	sst s2;
	s3 =	sadd.s32 s3, s5  }
0x6: {  	_ =	strace $0x80000047;
	s4 =	sadd.s32 $0xC00, s3;
	s3 =	simm.s32 $0x2  }
0x7: {  	[tilespmem:s2], [sflag:$0x2] =	stream.linear.gather [hbm4b:s4+s2], $0x400, $0x38;
	[tilespmem:$0x10400] =	vst v63  }
0x8: {  	_ =	swait.ge [sflag:s3], $0x400  }
0x9: {  	s6 =	simm.s32 $0x80;
	[sflag:s3] =	ssyncset.done $0x0  }
0xa: {  	s7 =	simm.s32 $0x400;
	s5 =	sadd.s32 $0x30E000, s5;
	[sflag:s3] =	ssyncadd.s32 $0xFFFFFC00  }
0xb: {  	[tilespmem:s7], [sflag:$0x1] =	stream.indirect.gather [hbm4b:s5+s6], $0x40, s2, s6, $0xb8;
	[tilespmem:$0x10400] =	vst v63  }
0xc: {  	s8 =	simm.s32 $0x2400  }
0xd: {  	[tilespmem:s8], [sflag:$0x1] =	stream.indirect.gather [hbm4b:s5+s6], $0x40, s6, s6, $0xb8;
	[tilespmem:$0x10400] =	vst v63  }
0xe: {  	s9 =	simm.s32 $0x100;
	s10 =	simm.s32 $0x4400  }
0xf: {  	[tilespmem:s10], [sflag:$0x1] =	stream.indirect.gather [hbm4b:s5+s6], $0x40, s9, s6, $0xb8;
	[tilespmem:$0x10400] =	vst v63  }
0x10: {  	s11 =	simm.s32 $0x180;
	s12 =	simm.s32 $0x6400  }
0x11: {  	[tilespmem:s12], [sflag:$0x1] =	stream.indirect.gather [hbm4b:s5+s6], $0x40, s11, s6, $0xb8;
	[tilespmem:$0x10400] =	vst v63  }
0x12: {  	s13 =	simm.s32 $0x200;
	s14 =	simm.s32 $0x8400  }
0x13: {  	[tilespmem:s14], [sflag:$0x1] =	stream.indirect.gather [hbm4b:s5+s6], $0x40, s13, s6, $0xb8;
	[tilespmem:$0x10400] =	vst v63  }
0x14: {  	s15 =	simm.s32 $0x280;
	s16 =	simm.s32 $0xA400  }
0x15: {  	[tilespmem:s16], [sflag:$0x1] =	stream.indirect.gather [hbm4b:s5+s6], $0x40, s15, s6, $0xb8;
	[tilespmem:$0x10400] =	vst v63  }
0x16: {  	s17 =	simm.s32 $0x300;
	s18 =	simm.s32 $0xC400  }
0x17: {  	[tilespmem:s18], [sflag:$0x1] =	stream.indirect.gather [hbm4b:s5+s6], $0x40, s17, s6, $0xb8;
	[tilespmem:$0x10400] =	vst v63  }
0x18: {  	s19 =	simm.s32 $0x1;
	s20 =	simm.s32 $0x380;
	s21 =	simm.s32 $0xE400  }
0x19: {  	[tilespmem:s21], [sflag:$0x1] =	stream.indirect.gather [hbm4b:s5+s6], $0x40, s20, s6, $0xb8;
	[tilespmem:$0x10400] =	vst v63  }
0x1a: {  	_ =	swait.ge [sflag:s19], $0x2000  }
0x1b: {  	[sflag:s19] =	ssyncset.done $0x0  }
0x1c: {  	[sflag:s19] =	ssyncadd.s32 $0xFFFFE000  }
0x1d: {  	_ =	swait.ge [sflag:s19], $0x2000  }
0x1e: {  	[sflag:s19] =	ssyncset.done $0x0  }
0x1f: {  	[sflag:s19] =	ssyncadd.s32 $0xFFFFE000  }
0x20: {  	_ =	swait.ge [sflag:s19], $0x2000  }
0x21: {  	[sflag:s19] =	ssyncset.done $0x0  }
0x22: {  	[sflag:s19] =	ssyncadd.s32 $0xFFFFE000  }
0x23: {  	_ =	swait.ge [sflag:s19], $0x2000  }
0x24: {  	[sflag:s19] =	ssyncset.done $0x0  }
0x25: {  	[sflag:s19] =	ssyncadd.s32 $0xFFFFE000  }
0x26: {  	_ =	swait.ge [sflag:s19], $0x2000  }
0x27: {  	p1 =	seq.s32 s23, $0x1;
	p0 =	seq.s32 s24, $0x0;
	[sflag:s19] =	ssyncset.done $0x0  }
0x28: {  	p0 =	por !p0, !p1;
	[sflag:s19] =	ssyncadd.s32 $0xFFFFE000  }
0x29: {  	s24 =	simm.s32 $0x1;
	p0 =	por !p0, !p0;
	_ =	swait.ge [sflag:s19], $0x2000  }
0x2a: {  	s25 =	ssub.s32 $0x2, s23;
	s24 =	simm.s32 @!p0 $0x0;
	[sflag:s19] =	ssyncset.done $0x0  }
0x2b: {  	s23 =	sshll.u32 s23, $0x10;
	s24 =	ssub.s32 s0, s24;
	[sflag:s19] =	ssyncadd.s32 $0xFFFFE000  }
0x2c: {  	s30 =	sshrl.u32 s25, $0x1;
	s24 =	sshll.u32 s24, $0x11;
	_ =	swait.ge [sflag:s19], $0x2000  }
0x2d: {  	s23 =	sor.u32 s23, s24;
	s24 =	ssub.s32 s25, s30;
	[sflag:s19] =	ssyncset.done $0x0  }
0x2e: {  	s31 =	smax.u32 s24, $0x1;
	[sflag:s19] =	ssyncadd.s32 $0xFFFFE000  }
0x2f: {  	p0 =	sne.s32 s31, $0x1;
	_ =	swait.ge [sflag:s19], $0x2000  }
.Ltmp0:
0x30: {  	s23 =	sshrl.u32 s23, $0x3;
	[sflag:s19] =	ssyncset.done $0x0;
	(pc) =	sbr.rel @!p0 .LBB2_2-.Ltmp0, $4  }
0x31: {  	s22 =	sadd.s32 s22, s23;
	[sflag:s19] =	ssyncadd.s32 $0xFFFFE000  }
0x32: {  	[hbm4b:s22+s2] =	stream.linear.scatter [tilespmem:s7], [sflag:$0x2], $0x10000, $0x38;
	[tilespmem:$0x10400] =	vst v63  }
0x33: {  	_ =	swait.ge [sflag:s3], $0x10000  }
0x34: {  	s23 =	sadd.s32 $0xFFFFFFFF, s31;
	[sflag:s3] =	ssyncset.done $0x0  }
.LBB2_1:
0x35: {  	p0 =	sne.s32 s23, $0x1;
	s23 =	sadd.s32 $0xFFFFFFFF, s23;
	[sflag:s3] =	ssyncadd.s32 $0xFFFF0000  }
0x36: {  	[tilespmem:s2], [sflag:$0x2] =	stream.linear.gather [hbm4b:s4+s2], $0x400, $0x38;
	[tilespmem:$0x10400] =	vst v63  }
0x37: {  	_ =	swait.ge [sflag:s3], $0x400  }
0x38: {  	[sflag:s3] =	ssyncset.done $0x0  }
0x39: {  	[sflag:s3] =	ssyncadd.s32 $0xFFFFFC00  }
0x3a: {  	[tilespmem:s7], [sflag:$0x1] =	stream.indirect.gather [hbm4b:s5+s6], $0x40, s2, s6, $0xb8;
	[tilespmem:$0x10400] =	vst v63  }
0x3b: {  	_ = 	snop  }
0x3c: {  	[tilespmem:s8], [sflag:$0x1] =	stream.indirect.gather [hbm4b:s5+s6], $0x40, s6, s6, $0xb8;
	[tilespmem:$0x10400] =	vst v63  }
0x3d: {  	_ = 	snop  }
0x3e: {  	[tilespmem:s10], [sflag:$0x1] =	stream.indirect.gather [hbm4b:s5+s6], $0x40, s9, s6, $0xb8;
	[tilespmem:$0x10400] =	vst v63  }
0x3f: {  	_ = 	snop  }
0x40: {  	[tilespmem:s12], [sflag:$0x1] =	stream.indirect.gather [hbm4b:s5+s6], $0x40, s11, s6, $0xb8;
	[tilespmem:$0x10400] =	vst v63  }
0x41: {  	_ = 	snop  }
0x42: {  	[tilespmem:s14], [sflag:$0x1] =	stream.indirect.gather [hbm4b:s5+s6], $0x40, s13, s6, $0xb8;
	[tilespmem:$0x10400] =	vst v63  }
0x43: {  	_ = 	snop  }
0x44: {  	[tilespmem:s16], [sflag:$0x1] =	stream.indirect.gather [hbm4b:s5+s6], $0x40, s15, s6, $0xb8;
	[tilespmem:$0x10400] =	vst v63  }
0x45: {  	_ = 	snop  }
0x46: {  	[tilespmem:s18], [sflag:$0x1] =	stream.indirect.gather [hbm4b:s5+s6], $0x40, s17, s6, $0xb8;
	[tilespmem:$0x10400] =	vst v63  }
0x47: {  	_ = 	snop  }
0x48: {  	[tilespmem:s21], [sflag:$0x1] =	stream.indirect.gather [hbm4b:s5+s6], $0x40, s20, s6, $0xb8;
	[tilespmem:$0x10400] =	vst v63  }
0x49: {  	_ =	swait.ge [sflag:s19], $0x2000  }
0x4a: {  	[sflag:s19] =	ssyncset.done $0x0  }
0x4b: {  	[sflag:s19] =	ssyncadd.s32 $0xFFFFE000  }
0x4c: {  	_ =	swait.ge [sflag:s19], $0x2000  }
0x4d: {  	[sflag:s19] =	ssyncset.done $0x0  }
0x4e: {  	[sflag:s19] =	ssyncadd.s32 $0xFFFFE000  }
0x4f: {  	_ =	swait.ge [sflag:s19], $0x2000  }
0x50: {  	[sflag:s19] =	ssyncset.done $0x0  }
0x51: {  	[sflag:s19] =	ssyncadd.s32 $0xFFFFE000  }
0x52: {  	_ =	swait.ge [sflag:s19], $0x2000  }
0x53: {  	[sflag:s19] =	ssyncset.done $0x0  }
0x54: {  	[sflag:s19] =	ssyncadd.s32 $0xFFFFE000  }
0x55: {  	_ =	swait.ge [sflag:s19], $0x2000  }
0x56: {  	[sflag:s19] =	ssyncset.done $0x0  }
0x57: {  	[sflag:s19] =	ssyncadd.s32 $0xFFFFE000  }
0x58: {  	_ =	swait.ge [sflag:s19], $0x2000  }
0x59: {  	[sflag:s19] =	ssyncset.done $0x0  }
0x5a: {  	[sflag:s19] =	ssyncadd.s32 $0xFFFFE000  }
0x5b: {  	_ =	swait.ge [sflag:s19], $0x2000  }
0x5c: {  	[sflag:s19] =	ssyncset.done $0x0  }
0x5d: {  	[sflag:s19] =	ssyncadd.s32 $0xFFFFE000  }
0x5e: {  	_ =	swait.ge [sflag:s19], $0x2000  }
.Ltmp1:
0x5f: {  	[sflag:s19] =	ssyncset.done $0x0;
	(pc) =	sbr.rel @p0 .LBB2_1-.Ltmp1, $4  }
0x60: {  	[sflag:s19] =	ssyncadd.s32 $0xFFFFE000  }
0x61: {  	[hbm4b:s22+s2] =	stream.linear.scatter [tilespmem:s7], [sflag:$0x2], $0x10000, $0x38;
	[tilespmem:$0x10400] =	vst v63  }
0x62: {  	_ =	swait.ge [sflag:s3], $0x10000  }
0x63: {  	[sflag:s3] =	ssyncset.done $0x0  }
.LBB2_2:
0x64: {  	[sflag:s3] =	ssyncadd.s32 $0xFFFF0000  }
0x65: {  	_ =	sfence.sel $0x180000  }
0x66: {  	[bflag:$0x0] =	sbarrier.arrive $0xFFFF  }
0x67: {  	p0 =	sne.s32 s0, $0x0;
	_ =	strace $0x90000047  }
0x68: {  	s0 =	sadd.s32 @!p0 $0x100000, s1;
	[bflag:$0x2] =	sbarrier.arrive $0xFFFF  }
0x69: {  	[sflag:s0] =	ssyncadd.tile.s32 @!p0 $0x1;
	_ =	shalt  }
.Lfunc_end2:
_tile_overlayer_lowered:
.L_overlay_start_2:
0x6a: {  	(tag) =	ssettag $0x2  }
0x6b: {  	s0 =	rddreg [dreg:$0x0];
	s2 =	stileid.u32  }
0x6c: {  	s1 =	rddreg [dreg:$0x1];
	p0 =	sne.s32 s2, $0x0  }
0x6d: {  	s3 =	rddreg [dreg:$0x2];
	[bflag:$0x3] =	sbarrier.arrive $0xFFFF;
	s2 =	simm.s32 @!p0 $0x1C02  }
0x6e: {  	[timem:s3], [sflag:s2] =	dma.local @!p0 [hbm:s0], s1  }
0x6f: {  	s0 =	simm.s32 @!p0 $0x2  }
0x70: {  	_ =	swait.ge @!p0 [sflag:s0], s1  }
0x71: {  	s1 =	ssub.s32 @!p0 $0x0, s1;
	[sflag:s0] =	ssyncset.done @!p0 $0x0  }
0x72: {  	[sflag:s0] =	ssyncadd.s32 @!p0 s1  }
0x73: {  	[bflag:$0x3] =	sbarrier.arrive $0xFFFF  }
0x74: {  	_ =	shalt  }

</sc_bundles>
